<compile_context>
chip_gen: v7x
topology: tpu7x:2x2x1
jax: 0.10.2.dev20260603
libtpu: 0.0.44.dev20260713+nightly
codegen_flags: <defaults>
</compile_context>

<pallas_src>
import functools

import jax
import jax.numpy as jnp
from jax import lax
from jax.experimental import pallas as pl
from jax.experimental.pallas import tpu as pltpu
from jax.experimental.pallas import tpu_sc as plsc

_MODEL_DIM = 2048
_NUM_CORES = 2
_NUM_SUBCORES = 16
_NUM_WORKERS = _NUM_CORES * _NUM_SUBCORES
_CHUNK = 16
_NBUF = 2


def _gather_body(table_hbm, idx_hbm, out_hbm, idx_v, rows_v, sem0, sem1):
    b_per_w = idx_v.shape[0]
    nchunks = b_per_w // _CHUNK
    sems = (sem0, sem1)
    wid = lax.axis_index("s") * _NUM_CORES + lax.axis_index("c")
    base = wid * b_per_w
    pltpu.sync_copy(idx_hbm.at[pl.ds(base, b_per_w)], idx_v)

    def fire(chunk, buf):
        pltpu.async_copy(
            table_hbm.at[idx_v.at[pl.ds(chunk * _CHUNK, _CHUNK)]],
            rows_v.at[buf],
            sems[buf],
        )

    for b in range(_NBUF):
        fire(b, b)

    def step(i, _):
        for b in range(_NBUF):
            g = i * _NBUF + b
            pltpu.make_async_copy(
                table_hbm.at[idx_v.at[pl.ds(0, _CHUNK)]], rows_v.at[b], sems[b]
            ).wait()
            pltpu.sync_copy(
                rows_v.at[b], out_hbm.at[pl.ds(base + g * _CHUNK, _CHUNK)]
            )

            @pl.when(g + _NBUF < nchunks)
            def _():
                fire(g + _NBUF, b)

        return 0

    lax.fori_loop(0, nchunks // _NBUF, step, 0)


@functools.partial(jax.jit, static_argnames=("total",))
def _sc_gather(table, idx_flat, total):
    b_per_w = total // _NUM_WORKERS
    mesh = plsc.VectorSubcoreMesh(core_axis_name="c", subcore_axis_name="s")
    k = functools.partial(
        pl.kernel,
        mesh=mesh,
        out_type=jax.ShapeDtypeStruct((total, _MODEL_DIM), jnp.float32),
        scratch_types=[
            pltpu.VMEM((b_per_w,), jnp.int32),
            pltpu.VMEM((_NBUF, _CHUNK, _MODEL_DIM), jnp.float32),
            pltpu.SemaphoreType.DMA,
            pltpu.SemaphoreType.DMA,
        ],
    )(_gather_body)
    return k(table, idx_flat)


def kernel(pos, PE_weight):
    batch, seq_len = pos.shape
    total = batch * seq_len
    idx_flat = pos.reshape((total,)).astype(jnp.int32)
    out = _sc_gather(PE_weight, idx_flat, total)
    return out.reshape((batch, seq_len, _MODEL_DIM))

# --- scband reference (transcript-rebuilt; emitter-appended) ---
"""Pipeline reference for scband-position-embedding-62483184222794 (READ-ONLY COPY).

The authoritative reference and input builder live on the scoring server;
editing this copy changes nothing except your own understanding.
"""

import jax, jax.numpy as jnp
import numpy as np

MODEL_DIM = 2048
MAX_SEQ_LEN = 8192
BATCH = 4
SEQ_LEN = 8192

def setup_inputs(seed: int = 0) -> dict:
    key = jax.random.key(seed)
    k_pos, k_tab = jax.random.split(key)
    pos = jax.random.randint(k_pos, (BATCH, SEQ_LEN), 0, MAX_SEQ_LEN, dtype=jnp.int64 if jax.config.jax_enable_x64 else jnp.int32)
    PE_weight = jax.random.normal(k_tab, (MAX_SEQ_LEN, MODEL_DIM), dtype=jnp.float32)
    return {"pos": pos, "PE_weight": PE_weight}

def reference(pos, PE_weight):
    # nn.Embedding lookup: output[b, s, :] = PE_weight[pos[b, s], :]
    output = jnp.take(PE_weight, pos, axis=0)
    return output

if __name__ == "__main__":
    import jax
    _d = setup_inputs()
    print(jax.jit(kernel)(*tuple(_d.values())))

</pallas_src>

<mosaic_0001>
#map = affine_map<(d0, d1) -> (0, 0)>
#map1 = affine_map<(d0, d1) -> (0)>
module attributes {stable_mosaic.version = 14 : i64} {
  func.func @_gather_body(%arg0: i32, %arg1: i32, %arg2: memref<8192x2048xf32, #tpu.memory_space<hbm>>, %arg3: memref<32768xi32, #tpu.memory_space<hbm>>, %arg4: memref<32768x2048xf32, #tpu.memory_space<hbm>>, %arg5: memref<1024xi32, #tpu.memory_space<vmem>>, %arg6: memref<2x16x2048xf32, #tpu.memory_space<vmem>>, %arg7: memref<!tpu.dma_semaphore, #tpu.memory_space<semaphore_mem>>, %arg8: memref<!tpu.dma_semaphore, #tpu.memory_space<semaphore_mem>>) attributes {dimension_semantics = [#tpu.dimension_semantics<core_parallel>, #tpu.dimension_semantics<subcore_parallel>], iteration_bounds = array<i64: 2, 16>, scalar_prefetch = 0 : i64, scratch_operands = 4 : i64, tpu.core_type = #tpu.core_type<sc_vector_subcore>, window_params = [{transform_indices = #map}, {transform_indices = #map1}, {transform_indices = #map}]} {
    %mul3A = arith.constant 2 : i32
    %mul3A_0 = arith.muli %arg1, %mul3A : i32
    %add3A = arith.addi %mul3A_0, %arg0 : i32
    %mul3A_1 = arith.constant 1024 : i32
    %mul3A_2 = arith.muli %add3A, %mul3A_1 : i32
    "tpu.region"() ({
      %run_scoped3A = tpu.sem_alloc : memref<!tpu.dma_semaphore, #tpu.memory_space<semaphore_mem>>
      %dma_start3A_28 = tpu.memref_slice %arg3[%mul3A_2] : memref<32768xi32, #tpu.memory_space<hbm>> -> memref<1024xi32, #tpu.memory_space<hbm>>
      %dma_start3A_29 = tpu.memref_slice %arg3[%mul3A_2] : memref<32768xi32, #tpu.memory_space<hbm>> -> memref<1024xi32, #tpu.memory_space<hbm>>
      tpu.enqueue_dma source(%dma_start3A_29 : memref<1024xi32, #tpu.memory_space<hbm>>) target(%arg5 : memref<1024xi32, #tpu.memory_space<vmem>>) target_semaphore(%run_scoped3A : memref<!tpu.dma_semaphore, #tpu.memory_space<semaphore_mem>>)
      %dma_wait3A = tpu.memref_slice %arg3[%mul3A_2] : memref<32768xi32, #tpu.memory_space<hbm>> -> memref<1024xi32, #tpu.memory_space<hbm>>
      %dma_wait3A_30 = tpu.memref_slice %arg3[%mul3A_2] : memref<32768xi32, #tpu.memory_space<hbm>> -> memref<1024xi32, #tpu.memory_space<hbm>>
      tpu.wait_dma2 semaphore(%run_scoped3A : memref<!tpu.dma_semaphore, #tpu.memory_space<semaphore_mem>>) src(%dma_wait3A_30 : memref<1024xi32, #tpu.memory_space<hbm>>) dst(%arg5 : memref<1024xi32, #tpu.memory_space<vmem>>)
      tpu.yield
    }) : () -> ()
    %dma_start3A = arith.constant 0 : i32
    %dma_start3A_3 = arith.constant 0 : i32
    %dma_start3A_4 = arith.constant 0 : i32
    %dma_start3A_5 = tpu.memref_slice %arg6[%dma_start3A, %dma_start3A_3, %dma_start3A_4] : memref<2x16x2048xf32, #tpu.memory_space<vmem>> -> memref<1x16x2048xf32, #tpu.memory_space<vmem>>
    %dma_start3A_6 = tpu.memref_squeeze %dma_start3A_5 : memref<1x16x2048xf32, #tpu.memory_space<vmem>> -> memref<16x2048xf32, #tpu.memory_space<vmem>>
    %dma_start3A_7 = arith.constant 0 : i32
    %dma_start3A_8 = tpu.memref_slice %arg5[%dma_start3A_7] : memref<1024xi32, #tpu.memory_space<vmem>> -> memref<16xi32, #tpu.memory_space<vmem>>
    %dma_start3A_9 = arith.constant 0 : i32
    %dma_start3A_10 = arith.constant 0 : i32
    %dma_start3A_11 = tpu.memref_slice %arg2[%dma_start3A_9, %dma_start3A_10] : memref<8192x2048xf32, #tpu.memory_space<hbm>> -> memref<8192x2048xf32, #tpu.memory_space<hbm>>
    tpu.enqueue_indirect_dma source(%dma_start3A_11 : memref<8192x2048xf32, #tpu.memory_space<hbm>>) target(%dma_start3A_6 : memref<16x2048xf32, #tpu.memory_space<vmem>>) offsets(%dma_start3A_8 : memref<16xi32, #tpu.memory_space<vmem>>) semaphore(%arg7 : memref<!tpu.dma_semaphore, #tpu.memory_space<semaphore_mem>>)
    %dma_start3A_12 = arith.constant 1 : i32
    %dma_start3A_13 = arith.constant 0 : i32
    %dma_start3A_14 = arith.constant 0 : i32
    %dma_start3A_15 = tpu.memref_slice %arg6[%dma_start3A_12, %dma_start3A_13, %dma_start3A_14] : memref<2x16x2048xf32, #tpu.memory_space<vmem>> -> memref<1x16x2048xf32, #tpu.memory_space<vmem>>
    %dma_start3A_16 = tpu.memref_squeeze %dma_start3A_15 : memref<1x16x2048xf32, #tpu.memory_space<vmem>> -> memref<16x2048xf32, #tpu.memory_space<vmem>>
    %dma_start3A_17 = arith.constant 16 : i32
    %dma_start3A_18 = tpu.memref_slice %arg5[%dma_start3A_17] : memref<1024xi32, #tpu.memory_space<vmem>> -> memref<16xi32, #tpu.memory_space<vmem>>
    %dma_start3A_19 = arith.constant 0 : i32
    %dma_start3A_20 = arith.constant 0 : i32
    %dma_start3A_21 = tpu.memref_slice %arg2[%dma_start3A_19, %dma_start3A_20] : memref<8192x2048xf32, #tpu.memory_space<hbm>> -> memref<8192x2048xf32, #tpu.memory_space<hbm>>
    tpu.enqueue_indirect_dma source(%dma_start3A_21 : memref<8192x2048xf32, #tpu.memory_space<hbm>>) target(%dma_start3A_16 : memref<16x2048xf32, #tpu.memory_space<vmem>>) offsets(%dma_start3A_18 : memref<16xi32, #tpu.memory_space<vmem>>) semaphore(%arg8 : memref<!tpu.dma_semaphore, #tpu.memory_space<semaphore_mem>>)
    %scan3A = arith.constant 0 : i32
    %scan3A_22 = arith.constant 0 : i32
    %scan3A_23 = arith.constant 32 : i32
    %scan3A_24 = arith.addi %scan3A_22, %scan3A_23 : i32
    %scan3A_25 = arith.constant 1 : i32
    %scan3A_26 = scf.for %scan3A_28 = %scan3A_22 to %scan3A_24 step %scan3A_25 iter_args(%scan3A_29 = %scan3A) -> (i32)  : i32 {
      %mul3A_30 = arith.constant 2 : i32
      %mul3A_31 = arith.muli %scan3A_28, %mul3A_30 : i32
      %add3A_32 = arith.constant 0 : i32
      %add3A_33 = arith.addi %mul3A_31, %add3A_32 : i32
      %dma_wait3A = arith.constant 0 : i32
      %dma_wait3A_34 = arith.constant 0 : i32
      %dma_wait3A_35 = arith.constant 0 : i32
      %dma_wait3A_36 = tpu.memref_slice %arg6[%dma_wait3A, %dma_wait3A_34, %dma_wait3A_35] : memref<2x16x2048xf32, #tpu.memory_space<vmem>> -> memref<1x16x2048xf32, #tpu.memory_space<vmem>>
      %dma_wait3A_37 = tpu.memref_squeeze %dma_wait3A_36 : memref<1x16x2048xf32, #tpu.memory_space<vmem>> -> memref<16x2048xf32, #tpu.memory_space<vmem>>
      %dma_wait3A_38 = arith.constant 0 : i32
      %dma_wait3A_39 = tpu.memref_slice %arg5[%dma_wait3A_38] : memref<1024xi32, #tpu.memory_space<vmem>> -> memref<16xi32, #tpu.memory_space<vmem>>
      %dma_wait3A_40 = arith.constant 0 : i32
      %dma_wait3A_41 = arith.constant 0 : i32
      %dma_wait3A_42 = tpu.memref_slice %arg2[%dma_wait3A_40, %dma_wait3A_41] : memref<8192x2048xf32, #tpu.memory_space<hbm>> -> memref<8192x2048xf32, #tpu.memory_space<hbm>>
      tpu.wait_indirect_dma semaphore(%arg7 : memref<!tpu.dma_semaphore, #tpu.memory_space<semaphore_mem>>) src(%dma_wait3A_42 : memref<8192x2048xf32, #tpu.memory_space<hbm>>) dst(%dma_wait3A_37 : memref<16x2048xf32, #tpu.memory_space<vmem>>)
      %mul3A_43 = arith.constant 16 : i32
      %mul3A_44 = arith.muli %add3A_33, %mul3A_43 : i32
      %add3A_45 = arith.addi %mul3A_2, %mul3A_44 : i32
      %run_scoped3A = arith.constant 0 : i32
      "tpu.region"() ({
        %run_scoped3A_76 = tpu.sem_alloc : memref<!tpu.dma_semaphore, #tpu.memory_space<semaphore_mem>>
        %dma_start3A_77 = arith.constant 0 : i32
        %dma_start3A_78 = arith.constant 0 : i32
        %dma_start3A_79 = tpu.memref_slice %arg6[%run_scoped3A, %dma_start3A_77, %dma_start3A_78] : memref<2x16x2048xf32, #tpu.memory_space<vmem>> -> memref<1x16x2048xf32, #tpu.memory_space<vmem>>
        %dma_start3A_80 = tpu.memref_squeeze %dma_start3A_79 : memref<1x16x2048xf32, #tpu.memory_space<vmem>> -> memref<16x2048xf32, #tpu.memory_space<vmem>>
        %dma_start3A_81 = arith.constant 0 : i32
        %dma_start3A_82 = tpu.memref_slice %arg4[%add3A_45, %dma_start3A_81] : memref<32768x2048xf32, #tpu.memory_space<hbm>> -> memref<16x2048xf32, #tpu.memory_space<hbm>>
        %dma_start3A_83 = arith.constant 0 : i32
        %dma_start3A_84 = tpu.memref_slice %arg4[%add3A_45, %dma_start3A_83] : memref<32768x2048xf32, #tpu.memory_space<hbm>> -> memref<16x2048xf32, #tpu.memory_space<hbm>>
        %dma_start3A_85 = arith.constant 0 : i32
        %dma_start3A_86 = arith.constant 0 : i32
        %dma_start3A_87 = tpu.memref_slice %arg6[%run_scoped3A, %dma_start3A_85, %dma_start3A_86] : memref<2x16x2048xf32, #tpu.memory_space<vmem>> -> memref<1x16x2048xf32, #tpu.memory_space<vmem>>
        %dma_start3A_88 = tpu.memref_squeeze %dma_start3A_87 : memref<1x16x2048xf32, #tpu.memory_space<vmem>> -> memref<16x2048xf32, #tpu.memory_space<vmem>>
        tpu.enqueue_dma source(%dma_start3A_88 : memref<16x2048xf32, #tpu.memory_space<vmem>>) target(%dma_start3A_84 : memref<16x2048xf32, #tpu.memory_space<hbm>>) target_semaphore(%run_scoped3A_76 : memref<!tpu.dma_semaphore, #tpu.memory_space<semaphore_mem>>)
        %dma_wait3A_89 = arith.constant 0 : i32
        %dma_wait3A_90 = arith.constant 0 : i32
        %dma_wait3A_91 = tpu.memref_slice %arg6[%run_scoped3A, %dma_wait3A_89, %dma_wait3A_90] : memref<2x16x2048xf32, #tpu.memory_space<vmem>> -> memref<1x16x2048xf32, #tpu.memory_space<vmem>>
        %dma_wait3A_92 = tpu.memref_squeeze %dma_wait3A_91 : memref<1x16x2048xf32, #tpu.memory_space<vmem>> -> memref<16x2048xf32, #tpu.memory_space<vmem>>
        %dma_wait3A_93 = arith.constant 0 : i32
        %dma_wait3A_94 = tpu.memref_slice %arg4[%add3A_45, %dma_wait3A_93] : memref<32768x2048xf32, #tpu.memory_space<hbm>> -> memref<16x2048xf32, #tpu.memory_space<hbm>>
        %dma_wait3A_95 = arith.constant 0 : i32
        %dma_wait3A_96 = tpu.memref_slice %arg4[%add3A_45, %dma_wait3A_95] : memref<32768x2048xf32, #tpu.memory_space<hbm>> -> memref<16x2048xf32, #tpu.memory_space<hbm>>
        %dma_wait3A_97 = arith.constant 0 : i32
        %dma_wait3A_98 = arith.constant 0 : i32
        %dma_wait3A_99 = tpu.memref_slice %arg6[%run_scoped3A, %dma_wait3A_97, %dma_wait3A_98] : memref<2x16x2048xf32, #tpu.memory_space<vmem>> -> memref<1x16x2048xf32, #tpu.memory_space<vmem>>
        %dma_wait3A_100 = tpu.memref_squeeze %dma_wait3A_99 : memref<1x16x2048xf32, #tpu.memory_space<vmem>> -> memref<16x2048xf32, #tpu.memory_space<vmem>>
        tpu.wait_dma2 semaphore(%run_scoped3A_76 : memref<!tpu.dma_semaphore, #tpu.memory_space<semaphore_mem>>) src(%dma_wait3A_100 : memref<16x2048xf32, #tpu.memory_space<vmem>>) dst(%dma_wait3A_96 : memref<16x2048xf32, #tpu.memory_space<hbm>>)
        tpu.yield
      }) : () -> ()
      %add3A_46 = arith.constant 2 : i32
      %add3A_47 = arith.addi %add3A_33, %add3A_46 : i32
      %lt3A = arith.constant 64 : i32
      %lt3A_48 = arith.cmpi slt, %add3A_47, %lt3A : i32
      %convert_element_type3A = arith.extui %lt3A_48 : i1 to i32
      %cond3A = arith.constant 0 : i32
      %cond3A_49 = arith.cmpi ne, %convert_element_type3A, %cond3A : i32
      scf.if %cond3A_49 {
        %add3A_76 = arith.constant 2 : i32
        %add3A_77 = arith.addi %add3A_33, %add3A_76 : i32
        %mul3A_78 = arith.constant 16 : i32
        %mul3A_79 = arith.muli %add3A_77, %mul3A_78 : i32
        %dma_start3A_80 = arith.constant 0 : i32
        %dma_start3A_81 = arith.constant 0 : i32
        %dma_start3A_82 = arith.constant 0 : i32
        %dma_start3A_83 = tpu.memref_slice %arg6[%dma_start3A_80, %dma_start3A_81, %dma_start3A_82] : memref<2x16x2048xf32, #tpu.memory_space<vmem>> -> memref<1x16x2048xf32, #tpu.memory_space<vmem>>
        %dma_start3A_84 = tpu.memref_squeeze %dma_start3A_83 : memref<1x16x2048xf32, #tpu.memory_space<vmem>> -> memref<16x2048xf32, #tpu.memory_space<vmem>>
        %dma_start3A_85 = tpu.memref_slice %arg5[%mul3A_79] : memref<1024xi32, #tpu.memory_space<vmem>> -> memref<16xi32, #tpu.memory_space<vmem>>
        %dma_start3A_86 = arith.constant 0 : i32
        %dma_start3A_87 = arith.constant 0 : i32
        %dma_start3A_88 = tpu.memref_slice %arg2[%dma_start3A_86, %dma_start3A_87] : memref<8192x2048xf32, #tpu.memory_space<hbm>> -> memref<8192x2048xf32, #tpu.memory_space<hbm>>
        tpu.enqueue_indirect_dma source(%dma_start3A_88 : memref<8192x2048xf32, #tpu.memory_space<hbm>>) target(%dma_start3A_84 : memref<16x2048xf32, #tpu.memory_space<vmem>>) offsets(%dma_start3A_85 : memref<16xi32, #tpu.memory_space<vmem>>) semaphore(%arg7 : memref<!tpu.dma_semaphore, #tpu.memory_space<semaphore_mem>>)
      } else {
      }
      %mul3A_50 = arith.constant 2 : i32
      %mul3A_51 = arith.muli %scan3A_28, %mul3A_50 : i32
      %add3A_52 = arith.constant 1 : i32
      %add3A_53 = arith.addi %mul3A_51, %add3A_52 : i32
      %dma_wait3A_54 = arith.constant 1 : i32
      %dma_wait3A_55 = arith.constant 0 : i32
      %dma_wait3A_56 = arith.constant 0 : i32
      %dma_wait3A_57 = tpu.memref_slice %arg6[%dma_wait3A_54, %dma_wait3A_55, %dma_wait3A_56] : memref<2x16x2048xf32, #tpu.memory_space<vmem>> -> memref<1x16x2048xf32, #tpu.memory_space<vmem>>
      %dma_wait3A_58 = tpu.memref_squeeze %dma_wait3A_57 : memref<1x16x2048xf32, #tpu.memory_space<vmem>> -> memref<16x2048xf32, #tpu.memory_space<vmem>>
      %dma_wait3A_59 = arith.constant 0 : i32
      %dma_wait3A_60 = tpu.memref_slice %arg5[%dma_wait3A_59] : memref<1024xi32, #tpu.memory_space<vmem>> -> memref<16xi32, #tpu.memory_space<vmem>>
      %dma_wait3A_61 = arith.constant 0 : i32
      %dma_wait3A_62 = arith.constant 0 : i32
      %dma_wait3A_63 = tpu.memref_slice %arg2[%dma_wait3A_61, %dma_wait3A_62] : memref<8192x2048xf32, #tpu.memory_space<hbm>> -> memref<8192x2048xf32, #tpu.memory_space<hbm>>
      tpu.wait_indirect_dma semaphore(%arg8 : memref<!tpu.dma_semaphore, #tpu.memory_space<semaphore_mem>>) src(%dma_wait3A_63 : memref<8192x2048xf32, #tpu.memory_space<hbm>>) dst(%dma_wait3A_58 : memref<16x2048xf32, #tpu.memory_space<vmem>>)
      %mul3A_64 = arith.constant 16 : i32
      %mul3A_65 = arith.muli %add3A_53, %mul3A_64 : i32
      %add3A_66 = arith.addi %mul3A_2, %mul3A_65 : i32
      %run_scoped3A_67 = arith.constant 1 : i32
      "tpu.region"() ({
        %run_scoped3A_76 = tpu.sem_alloc : memref<!tpu.dma_semaphore, #tpu.memory_space<semaphore_mem>>
        %dma_start3A_77 = arith.constant 0 : i32
        %dma_start3A_78 = arith.constant 0 : i32
        %dma_start3A_79 = tpu.memref_slice %arg6[%run_scoped3A_67, %dma_start3A_77, %dma_start3A_78] : memref<2x16x2048xf32, #tpu.memory_space<vmem>> -> memref<1x16x2048xf32, #tpu.memory_space<vmem>>
        %dma_start3A_80 = tpu.memref_squeeze %dma_start3A_79 : memref<1x16x2048xf32, #tpu.memory_space<vmem>> -> memref<16x2048xf32, #tpu.memory_space<vmem>>
        %dma_start3A_81 = arith.constant 0 : i32
        %dma_start3A_82 = tpu.memref_slice %arg4[%add3A_66, %dma_start3A_81] : memref<32768x2048xf32, #tpu.memory_space<hbm>> -> memref<16x2048xf32, #tpu.memory_space<hbm>>
        %dma_start3A_83 = arith.constant 0 : i32
        %dma_start3A_84 = tpu.memref_slice %arg4[%add3A_66, %dma_start3A_83] : memref<32768x2048xf32, #tpu.memory_space<hbm>> -> memref<16x2048xf32, #tpu.memory_space<hbm>>
        %dma_start3A_85 = arith.constant 0 : i32
        %dma_start3A_86 = arith.constant 0 : i32
        %dma_start3A_87 = tpu.memref_slice %arg6[%run_scoped3A_67, %dma_start3A_85, %dma_start3A_86] : memref<2x16x2048xf32, #tpu.memory_space<vmem>> -> memref<1x16x2048xf32, #tpu.memory_space<vmem>>
        %dma_start3A_88 = tpu.memref_squeeze %dma_start3A_87 : memref<1x16x2048xf32, #tpu.memory_space<vmem>> -> memref<16x2048xf32, #tpu.memory_space<vmem>>
        tpu.enqueue_dma source(%dma_start3A_88 : memref<16x2048xf32, #tpu.memory_space<vmem>>) target(%dma_start3A_84 : memref<16x2048xf32, #tpu.memory_space<hbm>>) target_semaphore(%run_scoped3A_76 : memref<!tpu.dma_semaphore, #tpu.memory_space<semaphore_mem>>)
        %dma_wait3A_89 = arith.constant 0 : i32
        %dma_wait3A_90 = arith.constant 0 : i32
        %dma_wait3A_91 = tpu.memref_slice %arg6[%run_scoped3A_67, %dma_wait3A_89, %dma_wait3A_90] : memref<2x16x2048xf32, #tpu.memory_space<vmem>> -> memref<1x16x2048xf32, #tpu.memory_space<vmem>>
        %dma_wait3A_92 = tpu.memref_squeeze %dma_wait3A_91 : memref<1x16x2048xf32, #tpu.memory_space<vmem>> -> memref<16x2048xf32, #tpu.memory_space<vmem>>
        %dma_wait3A_93 = arith.constant 0 : i32
        %dma_wait3A_94 = tpu.memref_slice %arg4[%add3A_66, %dma_wait3A_93] : memref<32768x2048xf32, #tpu.memory_space<hbm>> -> memref<16x2048xf32, #tpu.memory_space<hbm>>
        %dma_wait3A_95 = arith.constant 0 : i32
        %dma_wait3A_96 = tpu.memref_slice %arg4[%add3A_66, %dma_wait3A_95] : memref<32768x2048xf32, #tpu.memory_space<hbm>> -> memref<16x2048xf32, #tpu.memory_space<hbm>>
        %dma_wait3A_97 = arith.constant 0 : i32
        %dma_wait3A_98 = arith.constant 0 : i32
        %dma_wait3A_99 = tpu.memref_slice %arg6[%run_scoped3A_67, %dma_wait3A_97, %dma_wait3A_98] : memref<2x16x2048xf32, #tpu.memory_space<vmem>> -> memref<1x16x2048xf32, #tpu.memory_space<vmem>>
        %dma_wait3A_100 = tpu.memref_squeeze %dma_wait3A_99 : memref<1x16x2048xf32, #tpu.memory_space<vmem>> -> memref<16x2048xf32, #tpu.memory_space<vmem>>
        tpu.wait_dma2 semaphore(%run_scoped3A_76 : memref<!tpu.dma_semaphore, #tpu.memory_space<semaphore_mem>>) src(%dma_wait3A_100 : memref<16x2048xf32, #tpu.memory_space<vmem>>) dst(%dma_wait3A_96 : memref<16x2048xf32, #tpu.memory_space<hbm>>)
        tpu.yield
      }) : () -> ()
      %add3A_68 = arith.constant 2 : i32
      %add3A_69 = arith.addi %add3A_53, %add3A_68 : i32
      %lt3A_70 = arith.constant 64 : i32
      %lt3A_71 = arith.cmpi slt, %add3A_69, %lt3A_70 : i32
      %convert_element_type3A_72 = arith.extui %lt3A_71 : i1 to i32
      %cond3A_73 = arith.constant 0 : i32
      %cond3A_74 = arith.cmpi ne, %convert_element_type3A_72, %cond3A_73 : i32
      scf.if %cond3A_74 {
        %add3A_76 = arith.constant 2 : i32
        %add3A_77 = arith.addi %add3A_53, %add3A_76 : i32
        %mul3A_78 = arith.constant 16 : i32
        %mul3A_79 = arith.muli %add3A_77, %mul3A_78 : i32
        %dma_start3A_80 = arith.constant 1 : i32
        %dma_start3A_81 = arith.constant 0 : i32
        %dma_start3A_82 = arith.constant 0 : i32
        %dma_start3A_83 = tpu.memref_slice %arg6[%dma_start3A_80, %dma_start3A_81, %dma_start3A_82] : memref<2x16x2048xf32, #tpu.memory_space<vmem>> -> memref<1x16x2048xf32, #tpu.memory_space<vmem>>
        %dma_start3A_84 = tpu.memref_squeeze %dma_start3A_83 : memref<1x16x2048xf32, #tpu.memory_space<vmem>> -> memref<16x2048xf32, #tpu.memory_space<vmem>>
        %dma_start3A_85 = tpu.memref_slice %arg5[%mul3A_79] : memref<1024xi32, #tpu.memory_space<vmem>> -> memref<16xi32, #tpu.memory_space<vmem>>
        %dma_start3A_86 = arith.constant 0 : i32
        %dma_start3A_87 = arith.constant 0 : i32
        %dma_start3A_88 = tpu.memref_slice %arg2[%dma_start3A_86, %dma_start3A_87] : memref<8192x2048xf32, #tpu.memory_space<hbm>> -> memref<8192x2048xf32, #tpu.memory_space<hbm>>
        tpu.enqueue_indirect_dma source(%dma_start3A_88 : memref<8192x2048xf32, #tpu.memory_space<hbm>>) target(%dma_start3A_84 : memref<16x2048xf32, #tpu.memory_space<vmem>>) offsets(%dma_start3A_85 : memref<16xi32, #tpu.memory_space<vmem>>) semaphore(%arg8 : memref<!tpu.dma_semaphore, #tpu.memory_space<semaphore_mem>>)
      } else {
      }
      %scan3A_75 = arith.constant 0 : i32
      scf.yield %scan3A_75 : i32
    }
    %scan3A_27 = arith.constant 32 : i32
    return
  }
}

</mosaic_0001>

<sc_bundles>
// kernel: _sc_gather.3.cloned.1.call-start
scs
__scs_entry_jumppad:
0x0: {  	(pc) =	sbr.rel $0x88, $3  }
0x1: {  	(tag) =	ssettag $0x0;
	lr =	simm.s32 $0x1  }
0x2: {  	[smem:$0x3F9F] =	sst lr;
	_ =	strace $0xD0000000  }
0x3: {  	_ = 	snop  }
0x4: {  	_ = 	snop  }
0x5: {  	_ = 	snop  }
0x6: {  	_ = 	snop  }
0x7: {  	_ = 	snop  }
__scs_overlays_trampoline_lowered:
0x8: {  	[smem:$0x3FAE] =	sst s0  }
0x9: {  	[smem:$0x3FAF] =	sst s1  }
0xa: {  	[smem:$0x3FB0] =	sst s2  }
0xb: {  	[smem:$0x3FB1] =	sst s3  }
0xc: {  	[smem:$0x3FB2] =	sst s4  }
0xd: {  	[smem:$0x3FB3] =	sst s5  }
0xe: {  	[smem:$0x3FB4] =	sst s6  }
0xf: {  	[smem:$0x3FB5] =	sst s7  }
0x10: {  	[smem:$0x3FB6] =	sst s8  }
0x11: {  	[smem:$0x3FB7] =	sst s9;
	s0 =	simm.s32 @!p0 $0x0  }
0x12: {  	s1 =	sld [smem:$0x3F9D];
	s0 =	simm.s32 @p0 $0x1  }
0x13: {  	[smem:$0x3FB8] =	sst s0;
	s0 =	simm.s32 @!p1 $0x0  }
0x14: {  	s2 =	sld [smem:$0x3F9C];
	s0 =	simm.s32 @p1 $0x1  }
0x15: {  	[smem:$0x3FB9] =	sst s0;
	s0 =	simm.s32 @!p2 $0x0  }
0x16: {  	s3 =	sld [smem:$0x3FDB];
	s0 =	simm.s32 @p2 $0x1  }
0x17: {  	s4 =	simm.s32 $0x1BF5;
	[smem:$0x3FBB] =	sst s0  }
0x18: {  	s0 =	sld [smem:$0x3F9E];
	_ =	swait.ge [sflag:s4], $0x0  }
0x19: {  	s7 =	sld [smem:$0x3F9F]  }
0x1a: {  	s8 =	sadd.s32 $0xFFFFE003, lr  }
0x1b: {  	s9 =	sadd.s32 $0xFFFFFEF7, lr;
	s5 =	simm.s32 $0xFFFFFFFF;
	p2 =	slt.u32 s8, $0xFFFFF086  }
0x1c: {  	p1 =	slt.u32 s9, $0xF7A;
	s5 =	simm.s32 @!p2 $0x0  }
0x1d: {  	s5 =	simm.s32 @p1 $0x1;
	p0 =	seq.s32 s7, s2  }
0x1e: {  	s7 =	smul.u32 @!p0 $0xF7A, s2;
	p2 =	seq.s32 @!p0 s5, $0x0  }
0x1f: {  	s9 =	smul.u32 $0xF7A, s1;
	s8 =	simm.s32 @!p0 $0x1BF5;
	p2 =	por !p2, p0  }
0x20: {  	[sflag:s8] =	ssyncset.s32 @!p0 $0xFFFFF086;
	s6 =	sadd.s32 @!p0 s3, s7;
	s7 =	simm.s32 @!p0 $0x108  }
0x21: {  	s3 =	sadd.s32 s3, s9;
	s6 =	sadd.s32 @!p0 $0x88, s6;
	s7 =	simm.s32 @p2 $0x1082  }
0x22: {  	[simem:s7], [sflag:s8] =	dma.local @!p0 [hbm:s6], $0xF7A  }
0x23: {  	s9 =	sor.u32 $0xD0000000, s2;
	s6 =	simm.s32 $0x108;
	_ =	swait.ge @!p0 [sflag:s8], $0x0  }
0x24: {  	s3 =	sadd.s32 $0x88, s3;
	s6 =	simm.s32 @!p1 $0x1082;
	[sflag:s4] =	ssyncset.s32 $0xFFFFF086  }
0x25: {  	[simem:s6], [sflag:s4] =	dma.local [hbm:s3], $0xF7A  }
0x26: {  	[smem:$0x3F9F] =	sst s1;
	(tag) =	ssettag s2;
	_ =	strace s9  }
0x27: {  	s1 =	sld [smem:$0x3FAF]  }
0x28: {  	s2 =	sld [smem:$0x3FB0]  }
0x29: {  	s4 =	sld [smem:$0x3FB2]  }
0x2a: {  	p0 =	seq.s32 s5, $0x0;
	s5 =	sld [smem:$0x3FB3]  }
0x2b: {  	s6 =	sld [smem:$0x3FB4]  }
0x2c: {  	s7 =	sld [smem:$0x3FB5]  }
0x2d: {  	s3 =	simm.s32 $0x108;
	s8 =	sld [smem:$0x3FB6]  }
0x2e: {  	s3 =	simm.s32 @!p0 $0x1082;
	s9 =	sld [smem:$0x3FB7]  }
0x2f: {  	lr =	sadd.s32 s0, s3;
	s0 =	sld [smem:$0x3FAE]  }
0x30: {  	s3 =	sld [smem:$0x3FB1]  }
0x31: {  	[smem:$0x3FBA] =	sst s10  }
0x32: {  	s10 =	sld [smem:$0x3FB8];
	_ =	sdelay $0x3  }
0x33: {  	p0 =	seq.s32 s10, $0x1;
	s10 =	sld [smem:$0x3FBA];
	_ =	sdelay $0x3  }
0x34: {  	[smem:$0x3FBA] =	sst s10  }
0x35: {  	s10 =	sld [smem:$0x3FB9];
	_ =	sdelay $0x3  }
0x36: {  	p1 =	seq.s32 s10, $0x1;
	s10 =	sld [smem:$0x3FBA];
	_ =	sdelay $0x3  }
0x37: {  	[smem:$0x3FBA] =	sst s10  }
0x38: {  	s10 =	sld [smem:$0x3FBB]  }
0x39: {  	_ = 	snop;
	(pc) =	sbr.ind lr, $3  }
0x3a: {  	_ = 	snop  }
0x3b: {  	_ = 	snop  }
0x3c: {  	p2 =	seq.s32 s10, $0x1;
	s10 =	sld [smem:$0x3FBA]  }
0x3d: {  	_ =	shalt  }
0x3e: {  	_ =	shalt  }
0x3f: {  	_ =	shalt  }
0x40: {  	_ =	shalt  }
0x41: {  	_ =	shalt  }
0x42: {  	_ =	shalt  }
0x43: {  	_ =	shalt  }
0x44: {  	_ =	shalt  }
0x45: {  	_ =	shalt  }
0x46: {  	_ =	shalt  }
0x47: {  	_ =	shalt  }
0x48: {  	_ =	shalt  }
0x49: {  	_ =	shalt  }
0x4a: {  	_ =	shalt  }
0x4b: {  	_ =	shalt  }
0x4c: {  	_ =	shalt  }
0x4d: {  	_ =	shalt  }
0x4e: {  	_ =	shalt  }
0x4f: {  	_ =	shalt  }
0x50: {  	_ =	shalt  }
0x51: {  	_ =	shalt  }
0x52: {  	_ =	shalt  }
0x53: {  	_ =	shalt  }
0x54: {  	_ =	shalt  }
0x55: {  	_ =	shalt  }
0x56: {  	_ =	shalt  }
0x57: {  	_ =	shalt  }
0x58: {  	_ =	shalt  }
0x59: {  	_ =	shalt  }
0x5a: {  	_ =	shalt  }
0x5b: {  	_ =	shalt  }
0x5c: {  	_ =	shalt  }
0x5d: {  	_ =	shalt  }
0x5e: {  	_ =	shalt  }
0x5f: {  	_ =	shalt  }
0x60: {  	_ =	shalt  }
0x61: {  	_ =	shalt  }
0x62: {  	_ =	shalt  }
0x63: {  	_ =	shalt  }
0x64: {  	_ =	shalt  }
0x65: {  	_ =	shalt  }
0x66: {  	_ =	shalt  }
0x67: {  	_ =	shalt  }
0x68: {  	_ =	shalt  }
0x69: {  	_ =	shalt  }
0x6a: {  	_ =	shalt  }
0x6b: {  	_ =	shalt  }
0x6c: {  	_ =	shalt  }
0x6d: {  	_ =	shalt  }
0x6e: {  	_ =	shalt  }
0x6f: {  	_ =	shalt  }
0x70: {  	_ =	shalt  }
0x71: {  	_ =	shalt  }
0x72: {  	_ =	shalt  }
0x73: {  	_ =	shalt  }
0x74: {  	_ =	shalt  }
0x75: {  	_ =	shalt  }
0x76: {  	_ =	shalt  }
0x77: {  	_ =	shalt  }
0x78: {  	_ =	shalt  }
0x79: {  	_ =	shalt  }
0x7a: {  	_ =	shalt  }
0x7b: {  	_ =	shalt  }
0x7c: {  	_ =	shalt  }
0x7d: {  	_ =	shalt  }
0x7e: {  	_ =	shalt  }
0x7f: {  	_ =	shalt  }
0x80: {  	_ =	shalt  }
0x81: {  	_ =	shalt  }
0x82: {  	_ =	shalt  }
0x83: {  	_ =	shalt  }
0x84: {  	_ =	shalt  }
0x85: {  	_ =	shalt  }
0x86: {  	_ =	shalt  }
0x87: {  	_ =	shalt  }
.Lfunc_end0:
.L_simem_size_0:
called_computation_lowered:
.L_overlay_start_0:
0x88: {  	s2 =	sld [smem:$0x3FD9]  }
0x89: {  	s3 =	sld [smem:$0x3FFE];
	_ =	sdelay $0x1  }
0x8a: {  	s1 =	srdreg.scid  }
0x8b: {  	s0 =	sand.u32 $0x1, s1  }
0x8c: {  	s18 =	sshll.u32 s0, $0xA;
	s2 =	sadd.s32 s3, s2  }
0x8d: {  	s2 =	sadd.s32 s2, s18  }
0x8e: {  	[smem:$0x3FC6] =	sst s2  }
0x8f: {  	_ = 	snop  }
0x90: {  	s2 =	sld [smem:$0x3FC9]  }
0x91: {  	s19 =	sld [smem:$0x3FC8]  }
0x92: {  	s4 =	sld [smem:$0x3FD0];
	(tm) =	ssettm $0x1  }
0x93: {  	s5 =	sld [smem:$0x3FFB];
	_ =	sdelay $0x3  }
0x94: {  	_ =	strace s5  }
0x95: {  	s5 =	sld [smem:$0x3FFC];
	_ =	sdelay $0x3  }
0x96: {  	_ =	strace s5  }
0x97: {  	s5 =	sld [smem:$0x3FFD];
	_ =	sdelay $0x3  }
0x98: {  	_ =	strace s5  }
0x99: {  	_ =	strace $0x8FFFFFFF  }
0x9a: {  	s20 =	sld [smem:$0x3FDB];
	_ =	sdelay $0x1  }
0x9b: {  	s6 =	simm.s32 $_scs_section_size  }
0x9c: {  	s7 =	simm.s32 $_size__tile_overlayer_lowered;
	s8 =	simm.s32 $_tile_overlayer_lowered  }
0x9d: {  	s23 =	simm.s32 $0x1BFF;
	s22 =	sshll.u32 s8, $0x1;
	s5 =	sadd.s32 s6, s20  }
0x9e: {  	s9 =	simm.s32 $0x0;
	s21 =	sshll.u32 s7, $0x1;
	s7 =	sadd.s32 s22, s5  }
0x9f: {  	[timem:s9], [sflag:s23] =	dma.local [hbm:s7], s21  }
0xa0: {  	_ =	swait.ge [sflag:s23], s21  }
0xa1: {  	s6 =	ssub.s32 $0x0, s21;
	[sflag:s23] =	ssyncset.done $0x0  }
0xa2: {  	[sflag:s23] =	ssyncadd.s32 s6;
	_ =	sdelay $0x1  }
0xa3: {  	s24 =	simm.s32 $0x1B8B  }
0xa4: {  	_ =	swait.ge [sflag:s24], $0x1  }
0xa5: {  	[sflag:s24] =	ssyncset.done $0x0  }
0xa6: {  	s25 =	simm.s32 $0x1B8E;
	[sflag:s24] =	ssyncadd.s32 $0xFFFFFFFF  }
0xa7: {  	s26 =	simm.s32 $execute0_lowered;
	[smem:$0x3FD2] =	sst s25  }
0xa8: {  	s6 =	sshll.u32 s26, $0x1;
	_ =	strace $0x80000046;
	[dreg:$0x1] =	wrdreg $0xFFFFFFFF  }
0xa9: {  	s28 =	simm.s32 $_size_execute0_lowered;
	s5 =	sadd.s32 s5, s6;
	[dreg:$0x0] =	wrdreg $0x0  }
0xaa: {  	s6 =	sshll.u32 s28, $0x1;
	[dreg:$0x2] =	wrdreg s5  }
0xab: {  	[dreg:$0x3] =	wrdreg s6  }
0xac: {  	[dreg:$0x4] =	wrdreg $0xC0  }
0xad: {  	_ =	task [dreg:s9], $0x5FFFF  }
0xae: {  	[dreg:$0x1] =	wrdreg $0xFFFFFFFF  }
0xaf: {  	[dreg:$0x0] =	wrdreg $0x60  }
0xb0: {  	[dreg:$0x2] =	wrdreg s2  }
0xb1: {  	[dreg:$0x3] =	wrdreg s19  }
0xb2: {  	[dreg:$0x4] =	wrdreg s4  }
0xb3: {  	[dreg:$0x5] =	wrdreg $0x9  }
0xb4: {  	_ =	task.clear_ibuf [dreg:s9], $0x6FFFF;
	_ =	strace $0x90000046  }
0xb5: {  	s29 =	simm.s32 $0x9;
	_ =	strace $0x80000048  }
0xb6: {  	_ =	swait.ge [sflag:s29], $0x1  }
0xb7: {  	[sflag:s29] =	ssyncadd.s32 $0xFFFFFFFF  }
0xb8: {  	_ =	strace $0x90000048  }
0xb9: {  	_ =	sfence  }
0xba: {  	s30 =	sld [smem:$0x0];
	_ =	sdelay $0x2  }
0xbb: {  	s31 =	sshll.u32 s1, $0xD;
	s1 =	sshrl.u32 s1, $0x2  }
0xbc: {  	s3 =	sand.u32 $0x4000, s31;
	s1 =	sadd.s32 s1, s30  }
0xbd: {  	s0 =	sor.u32 s3, s0;
	s1 =	sshll.u32 s1, $0x11  }
0xbe: {  	s0 =	sor.u32 s1, s0  }
0xbf: {  	s0 =	sadd.s32 $0x8F2B, s0  }
0xc0: {  	[sflag:s0] =	ssyncadd.remote.s32 $0x1  }
0xc1: {  	_ =	sfence.sel $0xFFFF  }
0xc2: {  	[dreg:$0x0] =	wrdreg $0xFFFFFFFF;
	(pc) =	sbr.abs _section_cstart, $3  }
0xc3: {  	[dreg:$0x1] =	wrdreg $0xFFFFFFFF  }
0xc4: {  	_ =	task.clear_ibuf [dreg:s9], $0x2FFFF;
	_ =	strace $0x9FFFFFFF  }
0xc5: {  	(tm) =	ssettm $0x7FFFFFFF  }
tec
execute0_lowered:
.L_overlay_start_1:
0x0: {  	(tag) =	ssettag $0x1  }
0x1: {  	s1 =	rddreg [dreg:$0x0]  }
0x2: {  	s0 =	rddreg [dreg:$0x1]  }
0x3: {  	s2 =	rddreg [dreg:$0x2]  }
0x4: {  	s3 =	srdreg.scid;
	s8 =	stileid.u32  }
0x5: {  	s14 =	simm.s32 $0x3;
	s16 =	simm.s32 $0x9400;
	s17 =	simm.s32 $0x9C00  }
0x6: {  	s18 =	simm.s32 $0xA400;
	s19 =	simm.s32 $0xAC00;
	s20 =	simm.s32 $0xB400  }
0x7: {  	s21 =	simm.s32 $0xBC00;
	s22 =	simm.s32 $0xC400;
	s28 =	simm.s32 $0xEC00  }
0x8: {  	s29 =	simm.s32 $0xF400;
	s30 =	simm.s32 $0xFC00;
	s31 =	simm.s32 $0x1  }
0x9: {  	s4 =	sand.u32 $0x1, s3;
	s3 =	simm.s32 $0x0;
	s5 =	sshll.u32 s8, $0xB  }
0xa: {  	s24 =	sshll.u32 s8, $0x13;
	s8 =	sadd.s32 $0x400, s1;
	s9 =	sadd.s32 $0x500, s1  }
0xb: {  	s10 =	sadd.s32 $0x600, s1;
	s11 =	sadd.s32 $0x700, s1;
	s6 =	sshll.u32 s4, $0xA  }
0xc: {  	[smem:$0x7FF] =	sst s3;
	s7 =	ssub.s32 $0x2, s4;
	s25 =	sshll.u32 s4, $0x12  }
0xd: {  	s4 =	simm.s32 $0x2;
	s5 =	sor.u32 s6, s5;
	_ =	strace $0x80000047  }
0xe: {  	s23 =	sshrl.u32 s7, $0x1;
	s6 =	sadd.s32 $0x200, s1;
	s5 =	sshrl.u32 s5, $0x3  }
0xf: {  	s12 =	ssub.s32 s7, s23;
	s7 =	sadd.s32 $0x300, s1;
	s23 =	simm.s32 $0xCC00  }
.Ltmp0:
0x10: {  	s0 =	sadd.s32 s0, s5;
	s5 =	sadd.s32 $0x100, s1;
	(pc) =	sbr.rel .LBB2_1-.Ltmp0, $4  }
0x11: {  	s26 =	smax.u32 s12, $0x1;
	[dreg:$0x4] =	wrdreg s0;
	s0 =	sadd.s32 s24, s2  }
0x12: {  	v2 =	vlaneseq.u32;
	s12 =	simm.s32 $0x0;
	[dreg:$0x5] =	wrdreg s26;
	s0 =	sadd.s32 s25, s0  }
0x13: {  	vm0 =	vmmov $0xffff;
	v1 =	vshrl.u32 v2, $0x3;
	s24 =	simm.s32 $0xD400;
	s26 =	simm.s32 $0xE400;
	s0 =	sadd.s32 $0x1000, s0  }
0x14: {  	v0 =	vand.u32 $0x7, v2;
	v2 =	vor.u32 $0x8, v2;
	v1 =	vmul.u32 $0x8, v1;
	s25 =	simm.s32 $0xDC00;
	[dreg:$0x6] =	wrdreg s0;
	s0 =	simm.s32 $0x8400  }
.LBB2_4:
0x15: {  	s12 =	rddreg [dreg:$0x7]  }
0x16: {  	s2 =	rddreg [dreg:$0x5];
	s12 =	sadd.s32 $0x1, s12  }
0x17: {  	p0 =	sne.s32 s12, s2  }
.Ltmp1:
0x18: {  	_ = 	snop;
	(pc) =	sbr.rel @!p0 .LBB2_5-.Ltmp1, $1  }
0x19: {  	_ =	sdelay $0x3  }
.LBB2_1:
0x1a: {  	[dreg:$0x7] =	wrdreg s12  }
0x1b: {  	s2 =	rddreg [dreg:$0x4]  }
0x1c: {  	[tilespmem:s3], [sflag:$0x3] =	stream.linear.gather [hbm4b:s2+s3], $0x400, $0x38;
	[tilespmem:$0x10400] =	vst v63  }
0x1d: {  	_ =	swait.ge [sflag:s14], $0x400  }
0x1e: {  	[sflag:s14] =	ssyncset.done $0x0  }
0x1f: {  	[sflag:s14] =	ssyncadd.s32 $0xFFFFFC00  }
0x20: {  	v3 =	vld [tilespmem:$0x0];
	_ =	sdelay $0x4  }
0x21: {  	v4 =	vshll.u32 v3, $0x4  }
0x22: {  	v3 =	vand.u32 $0x7, v3;
	v4 =	vand.u32 $0xFFFFFF80, v4  }
0x23: {  	v3 =	vor.u32 v3, v4  }
0x24: {  	v4 =	vperm.xlane v3, v0;
	_ =	sdelay $0x1  }
0x25: {  	v4 =	vadd.s32 v1, v4;
	_ =	sdelay $0x3  }
0x26: {  	s13 =	simm.s32 $0x400  }
0x27: {  	[tilespmem:s13], [sflag:$0x1] =	stream.indirect_vreg.gather [hbm4b:s1+s3], $0x80, v4, vm0, $0xb8;
	[tilespmem:$0x10400] =	vst v63  }
0x28: {  	s15 =	simm.s32 $0xC00  }
0x29: {  	[tilespmem:s15], [sflag:$0x1] =	stream.indirect_vreg.gather [hbm4b:s5+s3], $0x80, v4, vm0, $0xb8;
	[tilespmem:$0x10400] =	vst v63  }
0x2a: {  	s12 =	simm.s32 $0x1400  }
0x2b: {  	[tilespmem:s12], [sflag:$0x1] =	stream.indirect_vreg.gather [hbm4b:s6+s3], $0x80, v4, vm0, $0xb8;
	[tilespmem:$0x10400] =	vst v63  }
0x2c: {  	s13 =	simm.s32 $0x1C00  }
0x2d: {  	[tilespmem:s13], [sflag:$0x1] =	stream.indirect_vreg.gather [hbm4b:s7+s3], $0x80, v4, vm0, $0xb8;
	[tilespmem:$0x10400] =	vst v63  }
0x2e: {  	s15 =	simm.s32 $0x2400  }
0x2f: {  	[tilespmem:s15], [sflag:$0x1] =	stream.indirect_vreg.gather [hbm4b:s8+s3], $0x80, v4, vm0, $0xb8;
	[tilespmem:$0x10400] =	vst v63  }
0x30: {  	v3 =	vperm.xlane v3, v2;
	s12 =	simm.s32 $0x2C00  }
0x31: {  	[tilespmem:s12], [sflag:$0x1] =	stream.indirect_vreg.gather [hbm4b:s9+s3], $0x80, v4, vm0, $0xb8;
	[tilespmem:$0x10400] =	vst v63  }
0x32: {  	v3 =	vadd.s32 v1, v3;
	s13 =	simm.s32 $0x3400  }
0x33: {  	[tilespmem:s13], [sflag:$0x1] =	stream.indirect_vreg.gather [hbm4b:s10+s3], $0x80, v4, vm0, $0xb8;
	[tilespmem:$0x10400] =	vst v63  }
0x34: {  	s15 =	simm.s32 $0x3C00  }
0x35: {  	[tilespmem:s15], [sflag:$0x1] =	stream.indirect_vreg.gather [hbm4b:s11+s3], $0x80, v4, vm0, $0xb8;
	[tilespmem:$0x10400] =	vst v63  }
0x36: {  	s12 =	simm.s32 $0x4400  }
0x37: {  	[tilespmem:s12], [sflag:$0x1] =	stream.indirect_vreg.gather [hbm4b:s1+s3], $0x80, v3, vm0, $0xb8;
	[tilespmem:$0x10400] =	vst v63  }
0x38: {  	s13 =	simm.s32 $0x4C00  }
0x39: {  	[tilespmem:s13], [sflag:$0x1] =	stream.indirect_vreg.gather [hbm4b:s5+s3], $0x80, v3, vm0, $0xb8;
	[tilespmem:$0x10400] =	vst v63  }
0x3a: {  	s15 =	simm.s32 $0x5400  }
0x3b: {  	[tilespmem:s15], [sflag:$0x1] =	stream.indirect_vreg.gather [hbm4b:s6+s3], $0x80, v3, vm0, $0xb8;
	[tilespmem:$0x10400] =	vst v63  }
0x3c: {  	s12 =	simm.s32 $0x5C00  }
0x3d: {  	[tilespmem:s12], [sflag:$0x1] =	stream.indirect_vreg.gather [hbm4b:s7+s3], $0x80, v3, vm0, $0xb8;
	[tilespmem:$0x10400] =	vst v63  }
0x3e: {  	s13 =	simm.s32 $0x6400  }
0x3f: {  	[tilespmem:s13], [sflag:$0x1] =	stream.indirect_vreg.gather [hbm4b:s8+s3], $0x80, v3, vm0, $0xb8;
	[tilespmem:$0x10400] =	vst v63  }
0x40: {  	s15 =	simm.s32 $0x6C00  }
0x41: {  	[tilespmem:s15], [sflag:$0x1] =	stream.indirect_vreg.gather [hbm4b:s9+s3], $0x80, v3, vm0, $0xb8;
	[tilespmem:$0x10400] =	vst v63  }
0x42: {  	s12 =	simm.s32 $0x7400  }
0x43: {  	[tilespmem:s12], [sflag:$0x1] =	stream.indirect_vreg.gather [hbm4b:s10+s3], $0x80, v3, vm0, $0xb8;
	[tilespmem:$0x10400] =	vst v63  }
0x44: {  	s13 =	simm.s32 $0x7C00  }
0x45: {  	[tilespmem:s13], [sflag:$0x1] =	stream.indirect_vreg.gather [hbm4b:s11+s3], $0x80, v3, vm0, $0xb8;
	[tilespmem:$0x10400] =	vst v63  }
0x46: {  	v3 =	vld [tilespmem:$0x10];
	_ =	sdelay $0x4  }
0x47: {  	v63 =	vshll.u32 v3, $0x4  }
0x48: {  	v3 =	vand.u32 $0x7, v3;
	v4 =	vand.u32 $0xFFFFFF80, v63  }
0x49: {  	v3 =	vor.u32 v3, v4  }
0x4a: {  	v4 =	vperm.xlane v3, v0;
	_ =	sdelay $0x1  }
0x4b: {  	v4 =	vadd.s32 v1, v4;
	_ =	sdelay $0x4  }
0x4c: {  	[tilespmem:s0], [sflag:$0x2] =	stream.indirect_vreg.gather [hbm4b:s1+s3], $0x80, v4, vm0, $0xb8;
	[tilespmem:$0x10400] =	vst v63  }
0x4d: {  	s15 =	simm.s32 $0x8C00  }
0x4e: {  	[tilespmem:s15], [sflag:$0x2] =	stream.indirect_vreg.gather [hbm4b:s5+s3], $0x80, v4, vm0, $0xb8;
	[tilespmem:$0x10400] =	vst v63  }
0x4f: {  	_ = 	snop  }
0x50: {  	[tilespmem:s16], [sflag:$0x2] =	stream.indirect_vreg.gather [hbm4b:s6+s3], $0x80, v4, vm0, $0xb8;
	[tilespmem:$0x10400] =	vst v63  }
0x51: {  	_ = 	snop  }
0x52: {  	[tilespmem:s17], [sflag:$0x2] =	stream.indirect_vreg.gather [hbm4b:s7+s3], $0x80, v4, vm0, $0xb8;
	[tilespmem:$0x10400] =	vst v63  }
0x53: {  	_ = 	snop  }
0x54: {  	[tilespmem:s18], [sflag:$0x2] =	stream.indirect_vreg.gather [hbm4b:s8+s3], $0x80, v4, vm0, $0xb8;
	[tilespmem:$0x10400] =	vst v63  }
0x55: {  	v3 =	vperm.xlane v3, v2  }
0x56: {  	[tilespmem:s19], [sflag:$0x2] =	stream.indirect_vreg.gather [hbm4b:s9+s3], $0x80, v4, vm0, $0xb8;
	[tilespmem:$0x10400] =	vst v63  }
0x57: {  	v3 =	vadd.s32 v1, v3  }
0x58: {  	[tilespmem:s20], [sflag:$0x2] =	stream.indirect_vreg.gather [hbm4b:s10+s3], $0x80, v4, vm0, $0xb8;
	[tilespmem:$0x10400] =	vst v63  }
0x59: {  	_ = 	snop  }
0x5a: {  	[tilespmem:s21], [sflag:$0x2] =	stream.indirect_vreg.gather [hbm4b:s11+s3], $0x80, v4, vm0, $0xb8;
	[tilespmem:$0x10400] =	vst v63  }
0x5b: {  	_ = 	snop  }
0x5c: {  	[tilespmem:s22], [sflag:$0x2] =	stream.indirect_vreg.gather [hbm4b:s1+s3], $0x80, v3, vm0, $0xb8;
	[tilespmem:$0x10400] =	vst v63  }
0x5d: {  	_ = 	snop  }
0x5e: {  	[tilespmem:s23], [sflag:$0x2] =	stream.indirect_vreg.gather [hbm4b:s5+s3], $0x80, v3, vm0, $0xb8;
	[tilespmem:$0x10400] =	vst v63  }
0x5f: {  	_ = 	snop  }
0x60: {  	[tilespmem:s24], [sflag:$0x2] =	stream.indirect_vreg.gather [hbm4b:s6+s3], $0x80, v3, vm0, $0xb8;
	[tilespmem:$0x10400] =	vst v63  }
0x61: {  	_ = 	snop  }
0x62: {  	[tilespmem:s25], [sflag:$0x2] =	stream.indirect_vreg.gather [hbm4b:s7+s3], $0x80, v3, vm0, $0xb8;
	[tilespmem:$0x10400] =	vst v63  }
0x63: {  	_ = 	snop  }
0x64: {  	[tilespmem:s26], [sflag:$0x2] =	stream.indirect_vreg.gather [hbm4b:s8+s3], $0x80, v3, vm0, $0xb8;
	[tilespmem:$0x10400] =	vst v63  }
0x65: {  	_ = 	snop  }
0x66: {  	[tilespmem:s28], [sflag:$0x2] =	stream.indirect_vreg.gather [hbm4b:s9+s3], $0x80, v3, vm0, $0xb8;
	[tilespmem:$0x10400] =	vst v63  }
0x67: {  	_ = 	snop  }
0x68: {  	[tilespmem:s29], [sflag:$0x2] =	stream.indirect_vreg.gather [hbm4b:s10+s3], $0x80, v3, vm0, $0xb8;
	[tilespmem:$0x10400] =	vst v63  }
0x69: {  	s12 =	rddreg [dreg:$0x6];
	s13 =	simm.s32 $0x0  }
0x6a: {  	[tilespmem:s30], [sflag:$0x2] =	stream.indirect_vreg.gather [hbm4b:s11+s3], $0x80, v3, vm0, $0xb8;
	[tilespmem:$0x10400] =	vst v63  }
.LBB2_2:
0x6b: {  	_ =	swait.ge [sflag:s31], $0x8000  }
0x6c: {  	[sflag:s31] =	ssyncset.done $0x0  }
0x6d: {  	s15 =	sadd.s32 $0xFFFFF000, s12;
	s2 =	simm.s32 $0x400;
	[sflag:s31] =	ssyncadd.s32 $0xFFFF8000  }
0x6e: {  	[hbm4b:s15+s3] =	stream.linear.scatter [tilespmem:s2], [sflag:$0x3], $0x8000, $0x38;
	[tilespmem:$0x10400] =	vst v63  }
0x6f: {  	_ =	swait.ge [sflag:s14], $0x8000  }
0x70: {  	p0 =	seq.s32 s13, $0xF80;
	[sflag:s14] =	ssyncset.done $0x0  }
0x71: {  	s15 =	sshra.s32 @!p0 s13, $0x2;
	[sflag:s14] =	ssyncadd.s32 $0xFFFF8000  }
0x72: {  	v3 =	vld @!p0 [tilespmem:s15+$0x20];
	_ =	sdelay $0x4  }
0x73: {  	v4 =	vshll.u32 @!p0 v3, $0x4  }
0x74: {  	v5 =	vlaneseq.u32 @!p0;
	v3 =	vand.u32 @!p0 $0x7, v3;
	v4 =	vand.u32 @!p0 $0xFFFFFF80, v4  }
0x75: {  	v6 =	vshrl.u32 @!p0 v5, $0x3;
	v3 =	vor.u32 @!p0 v3, v4;
	v4 =	vand.u32 @!p0 $0x7, v5  }
0x76: {  	v6 =	vmul.u32 @!p0 $0x8, v6;
	v4 =	vperm.xlane @!p0 v3, v4;
	_ =	sdelay $0x1  }
0x77: {  	v4 =	vadd.s32 @!p0 v6, v4;
	_ =	sdelay $0x3  }
0x78: {  	vm1 =	vmmov @!p0 $0xffff;
	s2 =	simm.s32 @!p0 $0x400;
	s15 =	simm.s32 @!p0 $0x0  }
0x79: {  	[tilespmem:s2], [sflag:$0x1] =	stream.indirect_vreg.gather @!p0 [hbm4b:s1+s15], $0x80, v4, vm1, $0xb8;
	[tilespmem:$0x10400] =	vst v63  }
0x7a: {  	s2 =	simm.s32 @!p0 $0xC00  }
0x7b: {  	[tilespmem:s2], [sflag:$0x1] =	stream.indirect_vreg.gather @!p0 [hbm4b:s5+s15], $0x80, v4, vm1, $0xb8;
	[tilespmem:$0x10400] =	vst v63  }
0x7c: {  	s2 =	simm.s32 @!p0 $0x1400  }
0x7d: {  	[tilespmem:s2], [sflag:$0x1] =	stream.indirect_vreg.gather @!p0 [hbm4b:s6+s15], $0x80, v4, vm1, $0xb8;
	[tilespmem:$0x10400] =	vst v63  }
0x7e: {  	s2 =	simm.s32 @!p0 $0x1C00  }
0x7f: {  	[tilespmem:s2], [sflag:$0x1] =	stream.indirect_vreg.gather @!p0 [hbm4b:s7+s15], $0x80, v4, vm1, $0xb8;
	[tilespmem:$0x10400] =	vst v63  }
0x80: {  	s2 =	simm.s32 @!p0 $0x2400  }
0x81: {  	v5 =	vor.u32 @!p0 $0x8, v5;
	[tilespmem:s2], [sflag:$0x1] =	stream.indirect_vreg.gather @!p0 [hbm4b:s8+s15], $0x80, v4, vm1, $0xb8;
	[tilespmem:$0x10400] =	vst v63  }
0x82: {  	v3 =	vperm.xlane @!p0 v3, v5;
	s2 =	simm.s32 @!p0 $0x2C00  }
0x83: {  	[tilespmem:s2], [sflag:$0x1] =	stream.indirect_vreg.gather @!p0 [hbm4b:s9+s15], $0x80, v4, vm1, $0xb8;
	[tilespmem:$0x10400] =	vst v63  }
0x84: {  	v3 =	vadd.s32 @!p0 v6, v3;
	s2 =	simm.s32 @!p0 $0x3400  }
0x85: {  	[tilespmem:s2], [sflag:$0x1] =	stream.indirect_vreg.gather @!p0 [hbm4b:s10+s15], $0x80, v4, vm1, $0xb8;
	[tilespmem:$0x10400] =	vst v63  }
0x86: {  	s2 =	simm.s32 @!p0 $0x3C00  }
0x87: {  	[tilespmem:s2], [sflag:$0x1] =	stream.indirect_vreg.gather @!p0 [hbm4b:s11+s15], $0x80, v4, vm1, $0xb8;
	[tilespmem:$0x10400] =	vst v63  }
0x88: {  	s2 =	simm.s32 @!p0 $0x4400  }
0x89: {  	[tilespmem:s2], [sflag:$0x1] =	stream.indirect_vreg.gather @!p0 [hbm4b:s1+s15], $0x80, v3, vm1, $0xb8;
	[tilespmem:$0x10400] =	vst v63  }
0x8a: {  	s2 =	simm.s32 @!p0 $0x4C00  }
0x8b: {  	[tilespmem:s2], [sflag:$0x1] =	stream.indirect_vreg.gather @!p0 [hbm4b:s5+s15], $0x80, v3, vm1, $0xb8;
	[tilespmem:$0x10400] =	vst v63  }
0x8c: {  	s2 =	simm.s32 @!p0 $0x5400  }
0x8d: {  	[tilespmem:s2], [sflag:$0x1] =	stream.indirect_vreg.gather @!p0 [hbm4b:s6+s15], $0x80, v3, vm1, $0xb8;
	[tilespmem:$0x10400] =	vst v63  }
0x8e: {  	s2 =	simm.s32 @!p0 $0x5C00  }
0x8f: {  	[tilespmem:s2], [sflag:$0x1] =	stream.indirect_vreg.gather @!p0 [hbm4b:s7+s15], $0x80, v3, vm1, $0xb8;
	[tilespmem:$0x10400] =	vst v63  }
0x90: {  	s2 =	simm.s32 @!p0 $0x6400  }
0x91: {  	[tilespmem:s2], [sflag:$0x1] =	stream.indirect_vreg.gather @!p0 [hbm4b:s8+s15], $0x80, v3, vm1, $0xb8;
	[tilespmem:$0x10400] =	vst v63  }
0x92: {  	s2 =	simm.s32 @!p0 $0x6C00  }
0x93: {  	[tilespmem:s2], [sflag:$0x1] =	stream.indirect_vreg.gather @!p0 [hbm4b:s9+s15], $0x80, v3, vm1, $0xb8;
	[tilespmem:$0x10400] =	vst v63  }
0x94: {  	s2 =	simm.s32 @!p0 $0x7400  }
0x95: {  	[tilespmem:s2], [sflag:$0x1] =	stream.indirect_vreg.gather @!p0 [hbm4b:s10+s15], $0x80, v3, vm1, $0xb8;
	[tilespmem:$0x10400] =	vst v63  }
0x96: {  	s2 =	simm.s32 @!p0 $0x7C00  }
0x97: {  	[tilespmem:s2], [sflag:$0x1] =	stream.indirect_vreg.gather @!p0 [hbm4b:s11+s15], $0x80, v3, vm1, $0xb8;
	[tilespmem:$0x10400] =	vst v63  }
0x98: {  	_ =	swait.ge [sflag:s4], $0x8000  }
0x99: {  	[sflag:s4] =	ssyncset.done $0x0  }
.Ltmp2:
0x9a: {  	[sflag:s4] =	ssyncadd.s32 $0xFFFF8000;
	(pc) =	sbr.rel @p0 .LBB2_4-.Ltmp2, $4  }
0x9b: {  	[hbm4b:s12+s3] =	stream.linear.scatter [tilespmem:s0], [sflag:$0x3], $0x8000, $0x38;
	[tilespmem:$0x10400] =	vst v63  }
0x9c: {  	_ =	swait.ge [sflag:s14], $0x8000  }
0x9d: {  	[sflag:s14] =	ssyncset.done $0x0  }
0x9e: {  	[sflag:s14] =	ssyncadd.s32 $0xFFFF8000  }
0x9f: {  	s2 =	sshra.s32 s13, $0x2  }
0xa0: {  	v3 =	vld [tilespmem:s2+$0x30];
	_ =	sdelay $0x4  }
0xa1: {  	v4 =	vshll.u32 v3, $0x4  }
0xa2: {  	v3 =	vand.u32 $0x7, v3;
	v4 =	vand.u32 $0xFFFFFF80, v4  }
0xa3: {  	v3 =	vor.u32 v3, v4  }
0xa4: {  	v4 =	vperm.xlane v3, v0;
	_ =	sdelay $0x1  }
0xa5: {  	v4 =	vadd.s32 v1, v4;
	_ =	sdelay $0x4  }
0xa6: {  	[tilespmem:s0], [sflag:$0x2] =	stream.indirect_vreg.gather [hbm4b:s1+s3], $0x80, v4, vm0, $0xb8;
	[tilespmem:$0x10400] =	vst v63  }
0xa7: {  	s15 =	simm.s32 $0x8C00  }
0xa8: {  	[tilespmem:s15], [sflag:$0x2] =	stream.indirect_vreg.gather [hbm4b:s5+s3], $0x80, v4, vm0, $0xb8;
	[tilespmem:$0x10400] =	vst v63  }
0xa9: {  	_ = 	snop  }
0xaa: {  	[tilespmem:s16], [sflag:$0x2] =	stream.indirect_vreg.gather [hbm4b:s6+s3], $0x80, v4, vm0, $0xb8;
	[tilespmem:$0x10400] =	vst v63  }
0xab: {  	_ = 	snop  }
0xac: {  	[tilespmem:s17], [sflag:$0x2] =	stream.indirect_vreg.gather [hbm4b:s7+s3], $0x80, v4, vm0, $0xb8;
	[tilespmem:$0x10400] =	vst v63  }
0xad: {  	_ = 	snop  }
0xae: {  	[tilespmem:s18], [sflag:$0x2] =	stream.indirect_vreg.gather [hbm4b:s8+s3], $0x80, v4, vm0, $0xb8;
	[tilespmem:$0x10400] =	vst v63  }
0xaf: {  	v3 =	vperm.xlane v3, v2  }
0xb0: {  	[tilespmem:s19], [sflag:$0x2] =	stream.indirect_vreg.gather [hbm4b:s9+s3], $0x80, v4, vm0, $0xb8;
	[tilespmem:$0x10400] =	vst v63  }
0xb1: {  	v3 =	vadd.s32 v1, v3  }
0xb2: {  	[tilespmem:s20], [sflag:$0x2] =	stream.indirect_vreg.gather [hbm4b:s10+s3], $0x80, v4, vm0, $0xb8;
	[tilespmem:$0x10400] =	vst v63  }
0xb3: {  	_ = 	snop  }
0xb4: {  	[tilespmem:s21], [sflag:$0x2] =	stream.indirect_vreg.gather [hbm4b:s11+s3], $0x80, v4, vm0, $0xb8;
	[tilespmem:$0x10400] =	vst v63  }
0xb5: {  	_ = 	snop  }
0xb6: {  	[tilespmem:s22], [sflag:$0x2] =	stream.indirect_vreg.gather [hbm4b:s1+s3], $0x80, v3, vm0, $0xb8;
	[tilespmem:$0x10400] =	vst v63  }
0xb7: {  	_ = 	snop  }
0xb8: {  	[tilespmem:s23], [sflag:$0x2] =	stream.indirect_vreg.gather [hbm4b:s5+s3], $0x80, v3, vm0, $0xb8;
	[tilespmem:$0x10400] =	vst v63  }
0xb9: {  	_ = 	snop  }
0xba: {  	[tilespmem:s24], [sflag:$0x2] =	stream.indirect_vreg.gather [hbm4b:s6+s3], $0x80, v3, vm0, $0xb8;
	[tilespmem:$0x10400] =	vst v63  }
0xbb: {  	_ = 	snop  }
0xbc: {  	[tilespmem:s25], [sflag:$0x2] =	stream.indirect_vreg.gather [hbm4b:s7+s3], $0x80, v3, vm0, $0xb8;
	[tilespmem:$0x10400] =	vst v63  }
0xbd: {  	_ = 	snop  }
0xbe: {  	[tilespmem:s26], [sflag:$0x2] =	stream.indirect_vreg.gather [hbm4b:s8+s3], $0x80, v3, vm0, $0xb8;
	[tilespmem:$0x10400] =	vst v63  }
0xbf: {  	_ = 	snop  }
0xc0: {  	[tilespmem:s28], [sflag:$0x2] =	stream.indirect_vreg.gather [hbm4b:s9+s3], $0x80, v3, vm0, $0xb8;
	[tilespmem:$0x10400] =	vst v63  }
.Ltmp3:
0xc1: {  	_ = 	snop;
	(pc) =	sbr.rel .LBB2_2-.Ltmp3, $4  }
0xc2: {  	_ = 	snop  }
0xc3: {  	[tilespmem:s29], [sflag:$0x2] =	stream.indirect_vreg.gather [hbm4b:s10+s3], $0x80, v3, vm0, $0xb8;
	[tilespmem:$0x10400] =	vst v63  }
0xc4: {  	s12 =	sadd.s32 $0x2000, s12;
	s13 =	sadd.s32 $0x80, s13  }
0xc5: {  	[tilespmem:s30], [sflag:$0x2] =	stream.indirect_vreg.gather [hbm4b:s11+s3], $0x80, v3, vm0, $0xb8;
	[tilespmem:$0x10400] =	vst v63  }
.LBB2_5:
0xc6: {  	_ =	sfence.sel $0x180000  }
0xc7: {  	[bflag:$0x0] =	sbarrier.arrive $0xFFFF  }
0xc8: {  	_ =	strace $0x90000047  }
0xc9: {  	s0 =	stileid.u32;
	[bflag:$0x2] =	sbarrier.arrive $0xFFFF  }
0xca: {  	p0 =	sne.s32 s0, $0x0;
	s0 =	rddreg [dreg:$0x3]  }
0xcb: {  	s0 =	sadd.s32 @!p0 $0x100000, s0  }
0xcc: {  	[sflag:s0] =	ssyncadd.tile.s32 @!p0 $0x1;
	_ =	shalt  }
.Lfunc_end2:
_tile_overlayer_lowered:
.L_overlay_start_2:
0xcd: {  	(tag) =	ssettag $0x2  }
0xce: {  	s0 =	rddreg [dreg:$0x0];
	s2 =	stileid.u32  }
0xcf: {  	s1 =	rddreg [dreg:$0x1];
	p0 =	sne.s32 s2, $0x0  }
0xd0: {  	s3 =	rddreg [dreg:$0x2];
	[bflag:$0x3] =	sbarrier.arrive $0xFFFF;
	s2 =	simm.s32 @!p0 $0x1C03  }
0xd1: {  	[timem:s3], [sflag:s2] =	dma.local @!p0 [hbm:s0], s1  }
0xd2: {  	s0 =	simm.s32 @!p0 $0x3  }
0xd3: {  	_ =	swait.ge @!p0 [sflag:s0], s1  }
0xd4: {  	s1 =	ssub.s32 @!p0 $0x0, s1;
	[sflag:s0] =	ssyncset.done @!p0 $0x0  }
0xd5: {  	[sflag:s0] =	ssyncadd.s32 @!p0 s1  }
0xd6: {  	[bflag:$0x3] =	sbarrier.arrive $0xFFFF  }
0xd7: {  	_ =	shalt  }

</sc_bundles>
